<compile_context>
chip_gen: v7x
topology: tpu7x:2x2x1
jax: 0.10.2.dev20260603
libtpu: 0.0.44.dev20260713+nightly
codegen_flags: <defaults>
</compile_context>

<pallas_src>
import functools

import jax
import jax.numpy as jnp
from jax import lax
from jax.experimental import pallas as pl
from jax.experimental.pallas import tpu as pltpu
from jax.experimental.pallas import tpu_sc as plsc

_B = 1024
_H = 20
_D = 1000
_DP = 1024
_N = _B * _H
_NW = 32
_LPW = _N // _NW
_G = 32
_STEPS = _LPW // _G
_R = 512


def _make_sc_gather():
    mesh = plsc.VectorSubcoreMesh(core_axis_name="c", subcore_axis_name="s")

    @functools.partial(
        pl.kernel,
        mesh=mesh,
        out_type=jax.ShapeDtypeStruct((_N, _DP), jnp.float32),
        scratch_types=[
            pltpu.VMEM((_LPW,), jnp.int32),
            pltpu.VMEM((2, _G, _DP), jnp.float32),
            pltpu.SemaphoreType.DMA,
            pltpu.SemaphoreType.DMA,
        ],
    )
    def gather(table_hbm, idx_hbm, out_hbm, idx_v, rows_v, gsem, ssem):
        wid = lax.axis_index("s") * 2 + lax.axis_index("c")
        base = wid * _LPW
        pltpu.sync_copy(idx_hbm.at[pl.ds(base, _LPW)], idx_v)

        def gstart(i, b):
            pltpu.async_copy(
                table_hbm.at[idx_v.at[pl.ds(i * _G, _G)]], rows_v.at[b], gsem
            )

        def gwait():
            pltpu.make_async_copy(
                table_hbm.at[idx_v.at[pl.ds(0, _G)]], rows_v.at[0], gsem
            ).wait()

        def sstart(i, b):
            pltpu.async_copy(
                rows_v.at[b], out_hbm.at[pl.ds(base + i * _G, _G)], ssem
            )

        def swait():
            pltpu.make_async_copy(
                rows_v.at[0], out_hbm.at[pl.ds(base, _G)], ssem
            ).wait()

        gstart(0, 0)

        def body(i, carry):
            b = lax.rem(i, 2)

            @pl.when(i + 1 < _STEPS)
            def _():
                @pl.when(i >= 1)
                def _():
                    swait()

                gstart(i + 1, 1 - b)

            gwait()
            sstart(i, b)
            return carry

        lax.fori_loop(0, _STEPS, body, 0)
        swait()
        swait()

    return gather


_sc_gather = _make_sc_gather()


def _pad_body(x_ref, o_ref):
    o_ref[...] = jnp.pad(x_ref[...], ((0, 0), (0, _DP - _D)))


_pad_table = pl.pallas_call(
    _pad_body,
    grid=(1,),
    in_specs=[pl.BlockSpec((1000, _D), lambda i: (0, 0))],
    out_specs=pl.BlockSpec((1000, _DP), lambda i: (0, 0)),
    out_shape=jax.ShapeDtypeStruct((1000, _DP), jnp.float32),
)


def _repack_body(x_ref, o_ref):
    o_ref[...] = x_ref[:, : _D]


_repack = pl.pallas_call(
    _repack_body,
    grid=(_N // _R,),
    in_specs=[pl.BlockSpec((_R, _DP), lambda i: (i, 0))],
    out_specs=pl.BlockSpec((_R, _D), lambda i: (i, 0)),
    out_shape=jax.ShapeDtypeStruct((_N, _D), jnp.float32),
)


def kernel(knowledge, table):
    padded = _sc_gather(_pad_table(table), knowledge.reshape(_N))
    return _repack(padded).reshape(_B, _H, _D)

# --- scband reference (transcript-rebuilt; emitter-appended) ---
"""Pipeline reference for scband-simple-embedding-46213848105226 (READ-ONLY COPY).

The authoritative reference and input builder live on the scoring server;
editing this copy changes nothing except your own understanding.
"""

import jax, jax.numpy as jnp
import numpy as np

NUM_CLASSES = 1000
BATCH = 1024
HIST = 20


def setup_inputs(seed: int = 0) -> dict:
    key = jax.random.key(seed)
    k_idx, k_tab = jax.random.split(key)
    knowledge = jax.random.randint(k_idx, (BATCH, HIST), 0, NUM_CLASSES, dtype=jnp.int32)
    # learned parameter: embedding table [num_embeddings=num_classes, embedding_dim=num_classes]
    table = jax.random.normal(k_tab, (NUM_CLASSES, NUM_CLASSES), dtype=jnp.float32)
    return {"knowledge": knowledge, "table": table}


def reference(knowledge, table):
    # torch: self.embedding(knowledge) -> gather rows of the table
    return jnp.take(table, knowledge, axis=0)

if __name__ == "__main__":
    import jax
    _d = setup_inputs()
    print(jax.jit(kernel)(*tuple(_d.values())))

</pallas_src>

<mosaic_0001>
#map = affine_map<(d0, d1) -> (0, 0)>
#map1 = affine_map<(d0, d1) -> (0)>
module attributes {stable_mosaic.version = 14 : i64} {
  func.func @gather(%arg0: i32, %arg1: i32, %arg2: memref<1000x1024xf32, #tpu.memory_space<hbm>>, %arg3: memref<20480xi32, #tpu.memory_space<hbm>>, %arg4: memref<20480x1024xf32, #tpu.memory_space<hbm>>, %arg5: memref<640xi32, #tpu.memory_space<vmem>>, %arg6: memref<2x32x1024xf32, #tpu.memory_space<vmem>>, %arg7: memref<!tpu.dma_semaphore, #tpu.memory_space<semaphore_mem>>, %arg8: memref<!tpu.dma_semaphore, #tpu.memory_space<semaphore_mem>>) attributes {dimension_semantics = [#tpu.dimension_semantics<core_parallel>, #tpu.dimension_semantics<subcore_parallel>], iteration_bounds = array<i64: 2, 16>, scalar_prefetch = 0 : i64, scratch_operands = 4 : i64, tpu.core_type = #tpu.core_type<sc_vector_subcore>, window_params = [{transform_indices = #map}, {transform_indices = #map1}, {transform_indices = #map}]} {
    %mul3A = arith.constant 2 : i32
    %mul3A_0 = arith.muli %arg1, %mul3A : i32
    %add3A = arith.addi %mul3A_0, %arg0 : i32
    %mul3A_1 = arith.constant 640 : i32
    %mul3A_2 = arith.muli %add3A, %mul3A_1 : i32
    "tpu.region"() ({
      %run_scoped3A = tpu.sem_alloc : memref<!tpu.dma_semaphore, #tpu.memory_space<semaphore_mem>>
      %dma_start3A_42 = tpu.memref_slice %arg3[%mul3A_2] : memref<20480xi32, #tpu.memory_space<hbm>> -> memref<640xi32, #tpu.memory_space<hbm>>
      %dma_start3A_43 = tpu.memref_slice %arg3[%mul3A_2] : memref<20480xi32, #tpu.memory_space<hbm>> -> memref<640xi32, #tpu.memory_space<hbm>>
      tpu.enqueue_dma source(%dma_start3A_43 : memref<640xi32, #tpu.memory_space<hbm>>) target(%arg5 : memref<640xi32, #tpu.memory_space<vmem>>) target_semaphore(%run_scoped3A : memref<!tpu.dma_semaphore, #tpu.memory_space<semaphore_mem>>)
      %dma_wait3A_44 = tpu.memref_slice %arg3[%mul3A_2] : memref<20480xi32, #tpu.memory_space<hbm>> -> memref<640xi32, #tpu.memory_space<hbm>>
      %dma_wait3A_45 = tpu.memref_slice %arg3[%mul3A_2] : memref<20480xi32, #tpu.memory_space<hbm>> -> memref<640xi32, #tpu.memory_space<hbm>>
      tpu.wait_dma2 semaphore(%run_scoped3A : memref<!tpu.dma_semaphore, #tpu.memory_space<semaphore_mem>>) src(%dma_wait3A_45 : memref<640xi32, #tpu.memory_space<hbm>>) dst(%arg5 : memref<640xi32, #tpu.memory_space<vmem>>)
      tpu.yield
    }) : () -> ()
    %dma_start3A = arith.constant 0 : i32
    %dma_start3A_3 = arith.constant 0 : i32
    %dma_start3A_4 = arith.constant 0 : i32
    %dma_start3A_5 = tpu.memref_slice %arg6[%dma_start3A, %dma_start3A_3, %dma_start3A_4] : memref<2x32x1024xf32, #tpu.memory_space<vmem>> -> memref<1x32x1024xf32, #tpu.memory_space<vmem>>
    %dma_start3A_6 = tpu.memref_squeeze %dma_start3A_5 : memref<1x32x1024xf32, #tpu.memory_space<vmem>> -> memref<32x1024xf32, #tpu.memory_space<vmem>>
    %dma_start3A_7 = arith.constant 0 : i32
    %dma_start3A_8 = tpu.memref_slice %arg5[%dma_start3A_7] : memref<640xi32, #tpu.memory_space<vmem>> -> memref<32xi32, #tpu.memory_space<vmem>>
    %dma_start3A_9 = arith.constant 0 : i32
    %dma_start3A_10 = arith.constant 0 : i32
    %dma_start3A_11 = tpu.memref_slice %arg2[%dma_start3A_9, %dma_start3A_10] : memref<1000x1024xf32, #tpu.memory_space<hbm>> -> memref<1000x1024xf32, #tpu.memory_space<hbm>>
    tpu.enqueue_indirect_dma source(%dma_start3A_11 : memref<1000x1024xf32, #tpu.memory_space<hbm>>) target(%dma_start3A_6 : memref<32x1024xf32, #tpu.memory_space<vmem>>) offsets(%dma_start3A_8 : memref<32xi32, #tpu.memory_space<vmem>>) semaphore(%arg7 : memref<!tpu.dma_semaphore, #tpu.memory_space<semaphore_mem>>)
    %scan3A = arith.constant 0 : i32
    %scan3A_12 = arith.constant 0 : i32
    %scan3A_13 = arith.constant 20 : i32
    %scan3A_14 = arith.addi %scan3A_12, %scan3A_13 : i32
    %scan3A_15 = arith.constant 1 : i32
    scf.for %scan3A_42 = %scan3A_12 to %scan3A_14 step %scan3A_15  : i32 {
      %rem3A = arith.constant 2 : i32
      %rem3A_43 = arith.remsi %scan3A_42, %rem3A : i32
      %add3A_44 = arith.constant 1 : i32
      %add3A_45 = arith.addi %scan3A_42, %add3A_44 : i32
      %lt3A = arith.constant 20 : i32
      %lt3A_46 = arith.cmpi slt, %add3A_45, %lt3A : i32
      %convert_element_type3A = arith.extui %lt3A_46 : i1 to i32
      %cond3A = arith.constant 0 : i32
      %cond3A_47 = arith.cmpi ne, %convert_element_type3A, %cond3A : i32
      scf.if %cond3A_47 {
        %ge3A = arith.constant 1 : i32
        %ge3A_73 = arith.cmpi sge, %scan3A_42, %ge3A : i32
        %convert_element_type3A_74 = arith.extui %ge3A_73 : i1 to i32
        %cond3A_75 = arith.constant 0 : i32
        %cond3A_76 = arith.cmpi ne, %convert_element_type3A_74, %cond3A_75 : i32
        scf.if %cond3A_76 {
          %dma_wait3A_90 = arith.constant 0 : i32
          %dma_wait3A_91 = arith.constant 0 : i32
          %dma_wait3A_92 = arith.constant 0 : i32
          %dma_wait3A_93 = tpu.memref_slice %arg6[%dma_wait3A_90, %dma_wait3A_91, %dma_wait3A_92] : memref<2x32x1024xf32, #tpu.memory_space<vmem>> -> memref<1x32x1024xf32, #tpu.memory_space<vmem>>
          %dma_wait3A_94 = tpu.memref_squeeze %dma_wait3A_93 : memref<1x32x1024xf32, #tpu.memory_space<vmem>> -> memref<32x1024xf32, #tpu.memory_space<vmem>>
          %dma_wait3A_95 = arith.constant 0 : i32
          %dma_wait3A_96 = tpu.memref_slice %arg4[%mul3A_2, %dma_wait3A_95] : memref<20480x1024xf32, #tpu.memory_space<hbm>> -> memref<32x1024xf32, #tpu.memory_space<hbm>>
          %dma_wait3A_97 = arith.constant 0 : i32
          %dma_wait3A_98 = tpu.memref_slice %arg4[%mul3A_2, %dma_wait3A_97] : memref<20480x1024xf32, #tpu.memory_space<hbm>> -> memref<32x1024xf32, #tpu.memory_space<hbm>>
          %dma_wait3A_99 = arith.constant 0 : i32
          %dma_wait3A_100 = arith.constant 0 : i32
          %dma_wait3A_101 = tpu.memref_slice %arg6[%dma_wait3A_90, %dma_wait3A_99, %dma_wait3A_100] : memref<2x32x1024xf32, #tpu.memory_space<vmem>> -> memref<1x32x1024xf32, #tpu.memory_space<vmem>>
          %dma_wait3A_102 = tpu.memref_squeeze %dma_wait3A_101 : memref<1x32x1024xf32, #tpu.memory_space<vmem>> -> memref<32x1024xf32, #tpu.memory_space<vmem>>
          tpu.wait_dma2 semaphore(%arg8 : memref<!tpu.dma_semaphore, #tpu.memory_space<semaphore_mem>>) src(%dma_wait3A_102 : memref<32x1024xf32, #tpu.memory_space<vmem>>) dst(%dma_wait3A_98 : memref<32x1024xf32, #tpu.memory_space<hbm>>)
        } else {
        }
        %add3A_77 = arith.constant 1 : i32
        %add3A_78 = arith.addi %scan3A_42, %add3A_77 : i32
        %sub3A = arith.constant 1 : i32
        %sub3A_79 = arith.subi %sub3A, %rem3A_43 : i32
        %mul3A_80 = arith.constant 32 : i32
        %mul3A_81 = arith.muli %add3A_78, %mul3A_80 : i32
        %dma_start3A_82 = arith.constant 0 : i32
        %dma_start3A_83 = arith.constant 0 : i32
        %dma_start3A_84 = tpu.memref_slice %arg6[%sub3A_79, %dma_start3A_82, %dma_start3A_83] : memref<2x32x1024xf32, #tpu.memory_space<vmem>> -> memref<1x32x1024xf32, #tpu.memory_space<vmem>>
        %dma_start3A_85 = tpu.memref_squeeze %dma_start3A_84 : memref<1x32x1024xf32, #tpu.memory_space<vmem>> -> memref<32x1024xf32, #tpu.memory_space<vmem>>
        %dma_start3A_86 = tpu.memref_slice %arg5[%mul3A_81] : memref<640xi32, #tpu.memory_space<vmem>> -> memref<32xi32, #tpu.memory_space<vmem>>
        %dma_start3A_87 = arith.constant 0 : i32
        %dma_start3A_88 = arith.constant 0 : i32
        %dma_start3A_89 = tpu.memref_slice %arg2[%dma_start3A_87, %dma_start3A_88] : memref<1000x1024xf32, #tpu.memory_space<hbm>> -> memref<1000x1024xf32, #tpu.memory_space<hbm>>
        tpu.enqueue_indirect_dma source(%dma_start3A_89 : memref<1000x1024xf32, #tpu.memory_space<hbm>>) target(%dma_start3A_85 : memref<32x1024xf32, #tpu.memory_space<vmem>>) offsets(%dma_start3A_86 : memref<32xi32, #tpu.memory_space<vmem>>) semaphore(%arg7 : memref<!tpu.dma_semaphore, #tpu.memory_space<semaphore_mem>>)
      } else {
      }
      %dma_wait3A_48 = arith.constant 0 : i32
      %dma_wait3A_49 = arith.constant 0 : i32
      %dma_wait3A_50 = arith.constant 0 : i32
      %dma_wait3A_51 = tpu.memref_slice %arg6[%dma_wait3A_48, %dma_wait3A_49, %dma_wait3A_50] : memref<2x32x1024xf32, #tpu.memory_space<vmem>> -> memref<1x32x1024xf32, #tpu.memory_space<vmem>>
      %dma_wait3A_52 = tpu.memref_squeeze %dma_wait3A_51 : memref<1x32x1024xf32, #tpu.memory_space<vmem>> -> memref<32x1024xf32, #tpu.memory_space<vmem>>
      %dma_wait3A_53 = arith.constant 0 : i32
      %dma_wait3A_54 = tpu.memref_slice %arg5[%dma_wait3A_53] : memref<640xi32, #tpu.memory_space<vmem>> -> memref<32xi32, #tpu.memory_space<vmem>>
      %dma_wait3A_55 = arith.constant 0 : i32
      %dma_wait3A_56 = arith.constant 0 : i32
      %dma_wait3A_57 = tpu.memref_slice %arg2[%dma_wait3A_55, %dma_wait3A_56] : memref<1000x1024xf32, #tpu.memory_space<hbm>> -> memref<1000x1024xf32, #tpu.memory_space<hbm>>
      tpu.wait_indirect_dma semaphore(%arg7 : memref<!tpu.dma_semaphore, #tpu.memory_space<semaphore_mem>>) src(%dma_wait3A_57 : memref<1000x1024xf32, #tpu.memory_space<hbm>>) dst(%dma_wait3A_52 : memref<32x1024xf32, #tpu.memory_space<vmem>>)
      %mul3A_58 = arith.constant 32 : i32
      %mul3A_59 = arith.muli %scan3A_42, %mul3A_58 : i32
      %add3A_60 = arith.addi %mul3A_2, %mul3A_59 : i32
      %dma_start3A_61 = arith.constant 0 : i32
      %dma_start3A_62 = arith.constant 0 : i32
      %dma_start3A_63 = tpu.memref_slice %arg6[%rem3A_43, %dma_start3A_61, %dma_start3A_62] : memref<2x32x1024xf32, #tpu.memory_space<vmem>> -> memref<1x32x1024xf32, #tpu.memory_space<vmem>>
      %dma_start3A_64 = tpu.memref_squeeze %dma_start3A_63 : memref<1x32x1024xf32, #tpu.memory_space<vmem>> -> memref<32x1024xf32, #tpu.memory_space<vmem>>
      %dma_start3A_65 = arith.constant 0 : i32
      %dma_start3A_66 = tpu.memref_slice %arg4[%add3A_60, %dma_start3A_65] : memref<20480x1024xf32, #tpu.memory_space<hbm>> -> memref<32x1024xf32, #tpu.memory_space<hbm>>
      %dma_start3A_67 = arith.constant 0 : i32
      %dma_start3A_68 = tpu.memref_slice %arg4[%add3A_60, %dma_start3A_67] : memref<20480x1024xf32, #tpu.memory_space<hbm>> -> memref<32x1024xf32, #tpu.memory_space<hbm>>
      %dma_start3A_69 = arith.constant 0 : i32
      %dma_start3A_70 = arith.constant 0 : i32
      %dma_start3A_71 = tpu.memref_slice %arg6[%rem3A_43, %dma_start3A_69, %dma_start3A_70] : memref<2x32x1024xf32, #tpu.memory_space<vmem>> -> memref<1x32x1024xf32, #tpu.memory_space<vmem>>
      %dma_start3A_72 = tpu.memref_squeeze %dma_start3A_71 : memref<1x32x1024xf32, #tpu.memory_space<vmem>> -> memref<32x1024xf32, #tpu.memory_space<vmem>>
      tpu.enqueue_dma source(%dma_start3A_72 : memref<32x1024xf32, #tpu.memory_space<vmem>>) target(%dma_start3A_68 : memref<32x1024xf32, #tpu.memory_space<hbm>>) target_semaphore(%arg8 : memref<!tpu.dma_semaphore, #tpu.memory_space<semaphore_mem>>)
    }
    %scan3A_16 = arith.constant 20 : i32
    %dma_wait3A = arith.constant 0 : i32
    %dma_wait3A_17 = arith.constant 0 : i32
    %dma_wait3A_18 = arith.constant 0 : i32
    %dma_wait3A_19 = tpu.memref_slice %arg6[%dma_wait3A, %dma_wait3A_17, %dma_wait3A_18] : memref<2x32x1024xf32, #tpu.memory_space<vmem>> -> memref<1x32x1024xf32, #tpu.memory_space<vmem>>
    %dma_wait3A_20 = tpu.memref_squeeze %dma_wait3A_19 : memref<1x32x1024xf32, #tpu.memory_space<vmem>> -> memref<32x1024xf32, #tpu.memory_space<vmem>>
    %dma_wait3A_21 = arith.constant 0 : i32
    %dma_wait3A_22 = tpu.memref_slice %arg4[%mul3A_2, %dma_wait3A_21] : memref<20480x1024xf32, #tpu.memory_space<hbm>> -> memref<32x1024xf32, #tpu.memory_space<hbm>>
    %dma_wait3A_23 = arith.constant 0 : i32
    %dma_wait3A_24 = tpu.memref_slice %arg4[%mul3A_2, %dma_wait3A_23] : memref<20480x1024xf32, #tpu.memory_space<hbm>> -> memref<32x1024xf32, #tpu.memory_space<hbm>>
    %dma_wait3A_25 = arith.constant 0 : i32
    %dma_wait3A_26 = arith.constant 0 : i32
    %dma_wait3A_27 = tpu.memref_slice %arg6[%dma_wait3A, %dma_wait3A_25, %dma_wait3A_26] : memref<2x32x1024xf32, #tpu.memory_space<vmem>> -> memref<1x32x1024xf32, #tpu.memory_space<vmem>>
    %dma_wait3A_28 = tpu.memref_squeeze %dma_wait3A_27 : memref<1x32x1024xf32, #tpu.memory_space<vmem>> -> memref<32x1024xf32, #tpu.memory_space<vmem>>
    tpu.wait_dma2 semaphore(%arg8 : memref<!tpu.dma_semaphore, #tpu.memory_space<semaphore_mem>>) src(%dma_wait3A_28 : memref<32x1024xf32, #tpu.memory_space<vmem>>) dst(%dma_wait3A_24 : memref<32x1024xf32, #tpu.memory_space<hbm>>)
    %dma_wait3A_29 = arith.constant 0 : i32
    %dma_wait3A_30 = arith.constant 0 : i32
    %dma_wait3A_31 = arith.constant 0 : i32
    %dma_wait3A_32 = tpu.memref_slice %arg6[%dma_wait3A_29, %dma_wait3A_30, %dma_wait3A_31] : memref<2x32x1024xf32, #tpu.memory_space<vmem>> -> memref<1x32x1024xf32, #tpu.memory_space<vmem>>
    %dma_wait3A_33 = tpu.memref_squeeze %dma_wait3A_32 : memref<1x32x1024xf32, #tpu.memory_space<vmem>> -> memref<32x1024xf32, #tpu.memory_space<vmem>>
    %dma_wait3A_34 = arith.constant 0 : i32
    %dma_wait3A_35 = tpu.memref_slice %arg4[%mul3A_2, %dma_wait3A_34] : memref<20480x1024xf32, #tpu.memory_space<hbm>> -> memref<32x1024xf32, #tpu.memory_space<hbm>>
    %dma_wait3A_36 = arith.constant 0 : i32
    %dma_wait3A_37 = tpu.memref_slice %arg4[%mul3A_2, %dma_wait3A_36] : memref<20480x1024xf32, #tpu.memory_space<hbm>> -> memref<32x1024xf32, #tpu.memory_space<hbm>>
    %dma_wait3A_38 = arith.constant 0 : i32
    %dma_wait3A_39 = arith.constant 0 : i32
    %dma_wait3A_40 = tpu.memref_slice %arg6[%dma_wait3A_29, %dma_wait3A_38, %dma_wait3A_39] : memref<2x32x1024xf32, #tpu.memory_space<vmem>> -> memref<1x32x1024xf32, #tpu.memory_space<vmem>>
    %dma_wait3A_41 = tpu.memref_squeeze %dma_wait3A_40 : memref<1x32x1024xf32, #tpu.memory_space<vmem>> -> memref<32x1024xf32, #tpu.memory_space<vmem>>
    tpu.wait_dma2 semaphore(%arg8 : memref<!tpu.dma_semaphore, #tpu.memory_space<semaphore_mem>>) src(%dma_wait3A_41 : memref<32x1024xf32, #tpu.memory_space<vmem>>) dst(%dma_wait3A_37 : memref<32x1024xf32, #tpu.memory_space<hbm>>)
    return
  }
}

module attributes {stable_mosaic.version = 14 : i64} {
  func.func @_repack_body(%arg0: i32, %arg1: memref<512x1024xf32, #tpu.memory_space<vmem>>, %arg2: memref<512x1000xf32, #tpu.memory_space<vmem>>) attributes {dimension_semantics = [#tpu.dimension_semantics<arbitrary>], iteration_bounds = array<i64: 40>, scalar_prefetch = 0 : i64, scratch_operands = 0 : i64, tpu.core_type = #tpu.core_type<tc>, window_params = [{transform_indices = @transform_0, window_bounds = array<i64: 512, 1024>}, {transform_indices = @transform_1, window_bounds = array<i64: 512, 1000>}]} {
    %get3A = arith.constant 0 : index
    %get3A_0 = arith.constant 0 : index
    %get3A_1 = vector.load %arg1[%get3A, %get3A_0] : memref<512x1024xf32, #tpu.memory_space<vmem>>, vector<512x1000xf32>
    %swap3A = arith.constant 0 : index
    %swap3A_2 = arith.constant 0 : index
    %swap3A_3 = vector.load %arg2[%swap3A, %swap3A_2] : memref<512x1000xf32, #tpu.memory_space<vmem>>, vector<512x1000xf32>
    tpu.vector_store %arg2[%swap3A, %swap3A_2], %get3A_1 {strides = array<i32>} : memref<512x1000xf32, #tpu.memory_space<vmem>>, vector<512x1000xf32>,
    return
  }
  func.func @transform_0(%arg0: i32) -> (i32, i32) {
    %c0_i32 = arith.constant 0 : i32
    %c0_i32_0 = arith.constant 0 : i32
    return %arg0, %c0_i32 : i32, i32
  }
  func.func @transform_1(%arg0: i32) -> (i32, i32) {
    %c0_i32 = arith.constant 0 : i32
    %c0_i32_0 = arith.constant 0 : i32
    return %arg0, %c0_i32 : i32, i32
  }
}

module attributes {stable_mosaic.version = 14 : i64} {
  func.func @_pad_body(%arg0: i32, %arg1: memref<1000x1000xf32, #tpu.memory_space<vmem>>, %arg2: memref<1000x1024xf32, #tpu.memory_space<vmem>>) attributes {dimension_semantics = [#tpu.dimension_semantics<arbitrary>], iteration_bounds = array<i64: 1>, scalar_prefetch = 0 : i64, scratch_operands = 0 : i64, tpu.core_type = #tpu.core_type<tc>, window_params = [{pipeline_mode = #tpu.pipeline_mode<synchronous>, transform_indices = @transform_0, window_bounds = array<i64: 1000, 1000>}, {pipeline_mode = #tpu.pipeline_mode<synchronous>, transform_indices = @transform_1, window_bounds = array<i64: 1000, 1024>}]} {
    %get3A = arith.constant 0 : index
    %get3A_0 = arith.constant 0 : index
    %get3A_1 = vector.load %arg1[%get3A, %get3A_0] : memref<1000x1000xf32, #tpu.memory_space<vmem>>, vector<1000x1000xf32>
    %jit3A = arith.constant 0 : i32
    %convert_element_type3A = arith.sitofp %jit3A : i32 to f32
    %pad3A = vector.broadcast %convert_element_type3A : f32 to vector<1000x24xf32>
    %pad3A_2 = tpu.concatenate %get3A_1, %pad3A in 1 : vector<1000x1000xf32>, vector<1000x24xf32> -> vector<1000x1024xf32>
    %swap3A = arith.constant 0 : index
    %swap3A_3 = arith.constant 0 : index
    %swap3A_4 = vector.load %arg2[%swap3A, %swap3A_3] : memref<1000x1024xf32, #tpu.memory_space<vmem>>, vector<1000x1024xf32>
    tpu.vector_store %arg2[%swap3A, %swap3A_3], %pad3A_2 {strides = array<i32>} : memref<1000x1024xf32, #tpu.memory_space<vmem>>, vector<1000x1024xf32>,
    return
  }
  func.func @transform_0(%arg0: i32) -> (i32, i32) {
    %c0_i32 = arith.constant 0 : i32
    %c0_i32_0 = arith.constant 0 : i32
    %c0_i32_1 = arith.constant 0 : i32
    return %c0_i32, %c0_i32_0 : i32, i32
  }
  func.func @transform_1(%arg0: i32) -> (i32, i32) {
    %c0_i32 = arith.constant 0 : i32
    %c0_i32_0 = arith.constant 0 : i32
    %c0_i32_1 = arith.constant 0 : i32
    return %c0_i32, %c0_i32_0 : i32, i32
  }
}

</mosaic_0001>

<sc_bundles>
// kernel: kernel.5.cloned.1.call-start
scs
__scs_entry_jumppad:
0x0: {  	(pc) =	sbr.rel $0x88, $3  }
0x1: {  	(tag) =	ssettag $0x0;
	lr =	simm.s32 $0x1  }
0x2: {  	[smem:$0x3F9F] =	sst lr;
	_ =	strace $0xD0000000  }
0x3: {  	_ = 	snop  }
0x4: {  	_ = 	snop  }
0x5: {  	_ = 	snop  }
0x6: {  	_ = 	snop  }
0x7: {  	_ = 	snop  }
__scs_overlays_trampoline_lowered:
0x8: {  	[smem:$0x3FAE] =	sst s0  }
0x9: {  	[smem:$0x3FAF] =	sst s1  }
0xa: {  	[smem:$0x3FB0] =	sst s2  }
0xb: {  	[smem:$0x3FB1] =	sst s3  }
0xc: {  	[smem:$0x3FB2] =	sst s4  }
0xd: {  	[smem:$0x3FB3] =	sst s5  }
0xe: {  	[smem:$0x3FB4] =	sst s6  }
0xf: {  	[smem:$0x3FB5] =	sst s7  }
0x10: {  	[smem:$0x3FB6] =	sst s8  }
0x11: {  	[smem:$0x3FB7] =	sst s9;
	s0 =	simm.s32 @!p0 $0x0  }
0x12: {  	s1 =	sld [smem:$0x3F9D];
	s0 =	simm.s32 @p0 $0x1  }
0x13: {  	[smem:$0x3FB8] =	sst s0;
	s0 =	simm.s32 @!p1 $0x0  }
0x14: {  	s2 =	sld [smem:$0x3F9C];
	s0 =	simm.s32 @p1 $0x1  }
0x15: {  	[smem:$0x3FB9] =	sst s0;
	s0 =	simm.s32 @!p2 $0x0  }
0x16: {  	s3 =	sld [smem:$0x3FDB];
	s0 =	simm.s32 @p2 $0x1  }
0x17: {  	s4 =	simm.s32 $0x1BF5;
	[smem:$0x3FBB] =	sst s0  }
0x18: {  	s0 =	sld [smem:$0x3F9E];
	_ =	swait.ge [sflag:s4], $0x0  }
0x19: {  	s7 =	sld [smem:$0x3F9F]  }
0x1a: {  	s8 =	sadd.s32 $0xFFFFE003, lr  }
0x1b: {  	s9 =	sadd.s32 $0xFFFFFEF7, lr;
	s5 =	simm.s32 $0xFFFFFFFF;
	p2 =	slt.u32 s8, $0xFFFFF086  }
0x1c: {  	p1 =	slt.u32 s9, $0xF7A;
	s5 =	simm.s32 @!p2 $0x0  }
0x1d: {  	s5 =	simm.s32 @p1 $0x1;
	p0 =	seq.s32 s7, s2  }
0x1e: {  	s7 =	smul.u32 @!p0 $0xF7A, s2;
	p2 =	seq.s32 @!p0 s5, $0x0  }
0x1f: {  	s9 =	smul.u32 $0xF7A, s1;
	s8 =	simm.s32 @!p0 $0x1BF5;
	p2 =	por !p2, p0  }
0x20: {  	[sflag:s8] =	ssyncset.s32 @!p0 $0xFFFFF086;
	s6 =	sadd.s32 @!p0 s3, s7;
	s7 =	simm.s32 @!p0 $0x108  }
0x21: {  	s3 =	sadd.s32 s3, s9;
	s6 =	sadd.s32 @!p0 $0x88, s6;
	s7 =	simm.s32 @p2 $0x1082  }
0x22: {  	[simem:s7], [sflag:s8] =	dma.local @!p0 [hbm:s6], $0xF7A  }
0x23: {  	s9 =	sor.u32 $0xD0000000, s2;
	s6 =	simm.s32 $0x108;
	_ =	swait.ge @!p0 [sflag:s8], $0x0  }
0x24: {  	s3 =	sadd.s32 $0x88, s3;
	s6 =	simm.s32 @!p1 $0x1082;
	[sflag:s4] =	ssyncset.s32 $0xFFFFF086  }
0x25: {  	[simem:s6], [sflag:s4] =	dma.local [hbm:s3], $0xF7A  }
0x26: {  	[smem:$0x3F9F] =	sst s1;
	(tag) =	ssettag s2;
	_ =	strace s9  }
0x27: {  	s1 =	sld [smem:$0x3FAF]  }
0x28: {  	s2 =	sld [smem:$0x3FB0]  }
0x29: {  	s4 =	sld [smem:$0x3FB2]  }
0x2a: {  	p0 =	seq.s32 s5, $0x0;
	s5 =	sld [smem:$0x3FB3]  }
0x2b: {  	s6 =	sld [smem:$0x3FB4]  }
0x2c: {  	s7 =	sld [smem:$0x3FB5]  }
0x2d: {  	s3 =	simm.s32 $0x108;
	s8 =	sld [smem:$0x3FB6]  }
0x2e: {  	s3 =	simm.s32 @!p0 $0x1082;
	s9 =	sld [smem:$0x3FB7]  }
0x2f: {  	lr =	sadd.s32 s0, s3;
	s0 =	sld [smem:$0x3FAE]  }
0x30: {  	s3 =	sld [smem:$0x3FB1]  }
0x31: {  	[smem:$0x3FBA] =	sst s10  }
0x32: {  	s10 =	sld [smem:$0x3FB8];
	_ =	sdelay $0x3  }
0x33: {  	p0 =	seq.s32 s10, $0x1;
	s10 =	sld [smem:$0x3FBA];
	_ =	sdelay $0x3  }
0x34: {  	[smem:$0x3FBA] =	sst s10  }
0x35: {  	s10 =	sld [smem:$0x3FB9];
	_ =	sdelay $0x3  }
0x36: {  	p1 =	seq.s32 s10, $0x1;
	s10 =	sld [smem:$0x3FBA];
	_ =	sdelay $0x3  }
0x37: {  	[smem:$0x3FBA] =	sst s10  }
0x38: {  	s10 =	sld [smem:$0x3FBB]  }
0x39: {  	_ = 	snop;
	(pc) =	sbr.ind lr, $3  }
0x3a: {  	_ = 	snop  }
0x3b: {  	_ = 	snop  }
0x3c: {  	p2 =	seq.s32 s10, $0x1;
	s10 =	sld [smem:$0x3FBA]  }
0x3d: {  	_ =	shalt  }
0x3e: {  	_ =	shalt  }
0x3f: {  	_ =	shalt  }
0x40: {  	_ =	shalt  }
0x41: {  	_ =	shalt  }
0x42: {  	_ =	shalt  }
0x43: {  	_ =	shalt  }
0x44: {  	_ =	shalt  }
0x45: {  	_ =	shalt  }
0x46: {  	_ =	shalt  }
0x47: {  	_ =	shalt  }
0x48: {  	_ =	shalt  }
0x49: {  	_ =	shalt  }
0x4a: {  	_ =	shalt  }
0x4b: {  	_ =	shalt  }
0x4c: {  	_ =	shalt  }
0x4d: {  	_ =	shalt  }
0x4e: {  	_ =	shalt  }
0x4f: {  	_ =	shalt  }
0x50: {  	_ =	shalt  }
0x51: {  	_ =	shalt  }
0x52: {  	_ =	shalt  }
0x53: {  	_ =	shalt  }
0x54: {  	_ =	shalt  }
0x55: {  	_ =	shalt  }
0x56: {  	_ =	shalt  }
0x57: {  	_ =	shalt  }
0x58: {  	_ =	shalt  }
0x59: {  	_ =	shalt  }
0x5a: {  	_ =	shalt  }
0x5b: {  	_ =	shalt  }
0x5c: {  	_ =	shalt  }
0x5d: {  	_ =	shalt  }
0x5e: {  	_ =	shalt  }
0x5f: {  	_ =	shalt  }
0x60: {  	_ =	shalt  }
0x61: {  	_ =	shalt  }
0x62: {  	_ =	shalt  }
0x63: {  	_ =	shalt  }
0x64: {  	_ =	shalt  }
0x65: {  	_ =	shalt  }
0x66: {  	_ =	shalt  }
0x67: {  	_ =	shalt  }
0x68: {  	_ =	shalt  }
0x69: {  	_ =	shalt  }
0x6a: {  	_ =	shalt  }
0x6b: {  	_ =	shalt  }
0x6c: {  	_ =	shalt  }
0x6d: {  	_ =	shalt  }
0x6e: {  	_ =	shalt  }
0x6f: {  	_ =	shalt  }
0x70: {  	_ =	shalt  }
0x71: {  	_ =	shalt  }
0x72: {  	_ =	shalt  }
0x73: {  	_ =	shalt  }
0x74: {  	_ =	shalt  }
0x75: {  	_ =	shalt  }
0x76: {  	_ =	shalt  }
0x77: {  	_ =	shalt  }
0x78: {  	_ =	shalt  }
0x79: {  	_ =	shalt  }
0x7a: {  	_ =	shalt  }
0x7b: {  	_ =	shalt  }
0x7c: {  	_ =	shalt  }
0x7d: {  	_ =	shalt  }
0x7e: {  	_ =	shalt  }
0x7f: {  	_ =	shalt  }
0x80: {  	_ =	shalt  }
0x81: {  	_ =	shalt  }
0x82: {  	_ =	shalt  }
0x83: {  	_ =	shalt  }
0x84: {  	_ =	shalt  }
0x85: {  	_ =	shalt  }
0x86: {  	_ =	shalt  }
0x87: {  	_ =	shalt  }
.Lfunc_end0:
.L_simem_size_0:
called_computation.1_lowered:
.L_overlay_start_0:
0x88: {  	s2 =	sld [smem:$0x3FD9]  }
0x89: {  	s3 =	sld [smem:$0x3FFE];
	_ =	sdelay $0x1  }
0x8a: {  	s1 =	srdreg.scid  }
0x8b: {  	s0 =	sand.u32 $0x1, s1  }
0x8c: {  	s17 =	sshll.u32 s0, $0xA;
	s2 =	sadd.s32 s3, s2  }
0x8d: {  	s2 =	sadd.s32 s2, s17  }
0x8e: {  	[smem:$0x3FC6] =	sst s2  }
0x8f: {  	_ = 	snop  }
0x90: {  	s2 =	sld [smem:$0x3FD0];
	(tm) =	ssettm $0x1  }
0x91: {  	s18 =	sld [smem:$0x3FFB];
	_ =	sdelay $0x3  }
0x92: {  	_ =	strace s18  }
0x93: {  	s3 =	sld [smem:$0x3FFC];
	_ =	sdelay $0x3  }
0x94: {  	_ =	strace s3  }
0x95: {  	s3 =	sld [smem:$0x3FFD];
	_ =	sdelay $0x3  }
0x96: {  	_ =	strace s3  }
0x97: {  	_ =	strace $0x8FFFFFFF  }
0x98: {  	s19 =	sld [smem:$0x3FDB];
	_ =	sdelay $0x1  }
0x99: {  	s4 =	simm.s32 $_scs_section_size  }
0x9a: {  	s5 =	simm.s32 $_size__tile_overlayer_lowered;
	s6 =	simm.s32 $_tile_overlayer_lowered  }
0x9b: {  	s22 =	simm.s32 $0x1BFF;
	s21 =	sshll.u32 s6, $0x1;
	s3 =	sadd.s32 s4, s19  }
0x9c: {  	s7 =	simm.s32 $0x0;
	s20 =	sshll.u32 s5, $0x1;
	s5 =	sadd.s32 s21, s3  }
0x9d: {  	[timem:s7], [sflag:s22] =	dma.local [hbm:s5], s20  }
0x9e: {  	_ =	swait.ge [sflag:s22], s20  }
0x9f: {  	s4 =	ssub.s32 $0x0, s20;
	[sflag:s22] =	ssyncset.done $0x0  }
0xa0: {  	[sflag:s22] =	ssyncadd.s32 s4;
	_ =	sdelay $0x1  }
0xa1: {  	s23 =	simm.s32 $0x1B8B  }
0xa2: {  	_ =	swait.ge [sflag:s23], $0x1  }
0xa3: {  	[sflag:s23] =	ssyncset.done $0x0  }
0xa4: {  	s25 =	simm.s32 $0x1B8E;
	s24 =	sld [smem:$0x3FFE];
	[sflag:s23] =	ssyncadd.s32 $0xFFFFFFFF  }
0xa5: {  	s26 =	simm.s32 $execute0_lowered;
	[smem:$0x3FD2] =	sst s25  }
0xa6: {  	s5 =	sshll.u32 s26, $0x1;
	_ =	strace $0x80000046;
	[dreg:$0x1] =	wrdreg $0xFFFFFFFF  }
0xa7: {  	s28 =	simm.s32 $_size_execute0_lowered;
	s3 =	sadd.s32 s3, s5;
	[dreg:$0x0] =	wrdreg $0x0  }
0xa8: {  	s5 =	sshll.u32 s28, $0x1;
	[dreg:$0x2] =	wrdreg s3  }
0xa9: {  	[dreg:$0x3] =	wrdreg s5  }
0xaa: {  	[dreg:$0x4] =	wrdreg $0xC0  }
0xab: {  	_ =	task [dreg:s7], $0x5FFFF  }
0xac: {  	[dreg:$0x1] =	wrdreg $0xFFFFFFFF  }
0xad: {  	[dreg:$0x0] =	wrdreg $0x60  }
0xae: {  	[dreg:$0x2] =	wrdreg s2  }
0xaf: {  	[dreg:$0x3] =	wrdreg s24  }
0xb0: {  	[dreg:$0x4] =	wrdreg $0x9  }
0xb1: {  	_ =	task.clear_ibuf [dreg:s7], $0x5FFFF;
	_ =	strace $0x90000046  }
0xb2: {  	s29 =	simm.s32 $0x9;
	_ =	strace $0x80000048  }
0xb3: {  	_ =	swait.ge [sflag:s29], $0x1  }
0xb4: {  	[sflag:s29] =	ssyncadd.s32 $0xFFFFFFFF  }
0xb5: {  	_ =	strace $0x90000048  }
0xb6: {  	_ =	sfence  }
0xb7: {  	s30 =	sld [smem:$0x0];
	_ =	sdelay $0x2  }
0xb8: {  	s31 =	sshll.u32 s1, $0xD;
	s1 =	sshrl.u32 s1, $0x2  }
0xb9: {  	s3 =	sand.u32 $0x4000, s31;
	s1 =	sadd.s32 s1, s30  }
0xba: {  	s0 =	sor.u32 s3, s0;
	s1 =	sshll.u32 s1, $0x11  }
0xbb: {  	s0 =	sor.u32 s1, s0  }
0xbc: {  	s0 =	sadd.s32 $0x8F2B, s0  }
0xbd: {  	[sflag:s0] =	ssyncadd.remote.s32 $0x1  }
0xbe: {  	_ =	sfence.sel $0xFFFF  }
0xbf: {  	[dreg:$0x0] =	wrdreg $0xFFFFFFFF;
	(pc) =	sbr.abs _section_cstart, $3  }
0xc0: {  	[dreg:$0x1] =	wrdreg $0xFFFFFFFF  }
0xc1: {  	_ =	task.clear_ibuf [dreg:s7], $0x2FFFF;
	_ =	strace $0x9FFFFFFF  }
0xc2: {  	(tm) =	ssettm $0x7FFFFFFF  }
0xc3: {  	_ =	shalt  }
tec
execute0_lowered:
.L_overlay_start_1:
0x0: {  	(tag) =	ssettag $0x1  }
0x1: {  	s0 =	srdreg.scid;
	s2 =	rddreg [dreg:$0x0]  }
0x2: {  	s3 =	stileid.u32;
	s4 =	rddreg [dreg:$0x1];
	s10 =	simm.s32 $0x3  }
0x3: {  	s14 =	simm.s32 $0x1A80;
	s15 =	simm.s32 $0x2280;
	s16 =	simm.s32 $0x2A80  }
0x4: {  	s17 =	simm.s32 $0x3280;
	s18 =	simm.s32 $0x3A80;
	s19 =	simm.s32 $0x4280  }
0x5: {  	s20 =	simm.s32 $0x4A80;
	s21 =	simm.s32 $0x5280;
	s22 =	simm.s32 $0x5A80  }
0x6: {  	s23 =	simm.s32 $0x6280;
	s24 =	simm.s32 $0x6A80;
	s25 =	simm.s32 $0x7280  }
0x7: {  	s26 =	simm.s32 $0x7A80;
	s28 =	simm.s32 $0x1;
	s29 =	simm.s32 $0x2  }
0x8: {  	s0 =	sand.u32 $0x1, s0;
	s1 =	smul.u32 $0x140000, s3;
	s5 =	sshll.u32 s3, $0x1  }
0x9: {  	s30 =	simm.s32 $0x0;
	s6 =	smul.u32 $0xA0000, s0;
	s5 =	sor.u32 s0, s5  }
0xa: {  	s3 =	simm.s32 $0x0;
	s7 =	sadd.s32 $0x300, s2;
	s5 =	smul.u32 $0x50, s5  }
.Ltmp0:
0xb: {  	[smem:$0x7FF] =	sst s3;
	s0 =	ssub.s32 $0x2, s0;
	(pc) =	sbr.rel .LBB2_1-.Ltmp0, $4  }
0xc: {  	_ =	strace $0x80000047;
	s31 =	sshrl.u32 s0, $0x1;
	s1 =	sadd.s32 s6, s1  }
0xd: {  	v2 =	vlaneseq.u32;
	s0 =	ssub.s32 s0, s31;
	s6 =	sadd.s32 $0x200, s2;
	s1 =	sshrl.u32 s1, $0x3  }
0xe: {  	vm0 =	vmmov $0xffff;
	v1 =	vshrl.u32 v2, $0x3;
	s5 =	sadd.s32 s5, s4;
	s8 =	smax.u32 s0, $0x1;
	s1 =	sadd.s32 s1, s4  }
0xf: {  	v0 =	vand.u32 $0x7, v2;
	v2 =	vor.u32 $0x8, v2;
	v1 =	vmul.u32 $0x8, v1;
	s4 =	sadd.s32 $0xC00, s5;
	s5 =	sadd.s32 $0x100, s2;
	s1 =	sadd.s32 $0x1600, s1  }
.LBB2_7:
0x10: {  	s30 =	sadd.s32 $0x1, s30  }
0x11: {  	_ =	swait.ge [sflag:s29], $0x8000;
	p0 =	sne.s32 s30, s8  }
.Ltmp1:
0x12: {  	[sflag:s29] =	ssyncset.done $0x0;
	(pc) =	sbr.rel @!p0 .LBB2_8-.Ltmp1, $4  }
0x13: {  	[sflag:s29] =	ssyncadd.s32 $0xFFFF8000  }
0x14: {  	_ =	swait.ge [sflag:s29], $0x8000  }
0x15: {  	[sflag:s29] =	ssyncset.done $0x0  }
0x16: {  	[sflag:s29] =	ssyncadd.s32 $0xFFFF8000  }
.LBB2_1:
0x17: {  	[tilespmem:s3], [sflag:$0x3] =	stream.linear.gather [hbm4b:s4+s3], $0x280, $0x38;
	[tilespmem:$0x10280] =	vst v63  }
0x18: {  	_ =	swait.ge [sflag:s10], $0x280  }
0x19: {  	[sflag:s10] =	ssyncset.done $0x0  }
0x1a: {  	[sflag:s10] =	ssyncadd.s32 $0xFFFFFD80  }
0x1b: {  	v3 =	vld [tilespmem:$0x0];
	_ =	sdelay $0x4  }
0x1c: {  	v4 =	vshll.u32 v3, $0x3  }
0x1d: {  	v3 =	vand.u32 $0x7, v3;
	v4 =	vand.u32 $0xFFFFFFC0, v4  }
0x1e: {  	v3 =	vor.u32 v3, v4  }
0x1f: {  	v4 =	vperm.xlane v3, v0;
	_ =	sdelay $0x1  }
0x20: {  	v4 =	vadd.s32 v1, v4;
	_ =	sdelay $0x3  }
0x21: {  	s0 =	simm.s32 $0x280  }
0x22: {  	[tilespmem:s0], [sflag:$0x1] =	stream.indirect_vreg.gather [hbm4b:s2+s3], $0x80, v4, vm0, $0xb8;
	[tilespmem:$0x10280] =	vst v63  }
0x23: {  	s12 =	simm.s32 $0xA80;
	v3 =	vperm.xlane v3, v2  }
0x24: {  	[tilespmem:s12], [sflag:$0x1] =	stream.indirect_vreg.gather [hbm4b:s5+s3], $0x80, v4, vm0, $0xb8;
	[tilespmem:$0x10280] =	vst v63  }
0x25: {  	s13 =	simm.s32 $0x1280;
	v3 =	vadd.s32 v1, v3  }
0x26: {  	[tilespmem:s13], [sflag:$0x1] =	stream.indirect_vreg.gather [hbm4b:s6+s3], $0x80, v4, vm0, $0xb8;
	[tilespmem:$0x10280] =	vst v63  }
0x27: {  	_ = 	snop  }
0x28: {  	[tilespmem:s14], [sflag:$0x1] =	stream.indirect_vreg.gather [hbm4b:s7+s3], $0x80, v4, vm0, $0xb8;
	[tilespmem:$0x10280] =	vst v63  }
0x29: {  	_ = 	snop  }
0x2a: {  	[tilespmem:s15], [sflag:$0x1] =	stream.indirect_vreg.gather [hbm4b:s2+s3], $0x80, v3, vm0, $0xb8;
	[tilespmem:$0x10280] =	vst v63  }
0x2b: {  	_ = 	snop  }
0x2c: {  	[tilespmem:s16], [sflag:$0x1] =	stream.indirect_vreg.gather [hbm4b:s5+s3], $0x80, v3, vm0, $0xb8;
	[tilespmem:$0x10280] =	vst v63  }
0x2d: {  	_ = 	snop  }
0x2e: {  	[tilespmem:s17], [sflag:$0x1] =	stream.indirect_vreg.gather [hbm4b:s6+s3], $0x80, v3, vm0, $0xb8;
	[tilespmem:$0x10280] =	vst v63  }
0x2f: {  	_ = 	snop  }
0x30: {  	[tilespmem:s18], [sflag:$0x1] =	stream.indirect_vreg.gather [hbm4b:s7+s3], $0x80, v3, vm0, $0xb8;
	[tilespmem:$0x10280] =	vst v63  }
0x31: {  	v3 =	vld [tilespmem:$0x10];
	_ =	sdelay $0x4  }
0x32: {  	v63 =	vshll.u32 v3, $0x3  }
0x33: {  	v3 =	vand.u32 $0x7, v3;
	v4 =	vand.u32 $0xFFFFFFC0, v63  }
0x34: {  	v3 =	vor.u32 v3, v4  }
0x35: {  	v4 =	vperm.xlane v3, v0;
	_ =	sdelay $0x1  }
0x36: {  	v4 =	vadd.s32 v1, v4;
	_ =	sdelay $0x4  }
0x37: {  	[tilespmem:s19], [sflag:$0x1] =	stream.indirect_vreg.gather [hbm4b:s2+s3], $0x80, v4, vm0, $0xb8;
	[tilespmem:$0x10280] =	vst v63  }
0x38: {  	v3 =	vperm.xlane v3, v2  }
0x39: {  	[tilespmem:s20], [sflag:$0x1] =	stream.indirect_vreg.gather [hbm4b:s5+s3], $0x80, v4, vm0, $0xb8;
	[tilespmem:$0x10280] =	vst v63  }
0x3a: {  	v3 =	vadd.s32 v1, v3  }
0x3b: {  	[tilespmem:s21], [sflag:$0x1] =	stream.indirect_vreg.gather [hbm4b:s6+s3], $0x80, v4, vm0, $0xb8;
	[tilespmem:$0x10280] =	vst v63  }
0x3c: {  	_ = 	snop  }
0x3d: {  	[tilespmem:s22], [sflag:$0x1] =	stream.indirect_vreg.gather [hbm4b:s7+s3], $0x80, v4, vm0, $0xb8;
	[tilespmem:$0x10280] =	vst v63  }
0x3e: {  	_ = 	snop  }
0x3f: {  	[tilespmem:s23], [sflag:$0x1] =	stream.indirect_vreg.gather [hbm4b:s2+s3], $0x80, v3, vm0, $0xb8;
	[tilespmem:$0x10280] =	vst v63  }
0x40: {  	_ = 	snop  }
0x41: {  	[tilespmem:s24], [sflag:$0x1] =	stream.indirect_vreg.gather [hbm4b:s5+s3], $0x80, v3, vm0, $0xb8;
	[tilespmem:$0x10280] =	vst v63  }
.Ltmp2:
0x42: {  	_ = 	snop;
	(pc) =	sbr.rel .LBB2_2-.Ltmp2, $4  }
0x43: {  	_ = 	snop  }
0x44: {  	[tilespmem:s25], [sflag:$0x1] =	stream.indirect_vreg.gather [hbm4b:s6+s3], $0x80, v3, vm0, $0xb8;
	[tilespmem:$0x10280] =	vst v63  }
0x45: {  	s31 =	simm.s32 $0x30;
	s9 =	smov.u32 s1;
	s0 =	simm.s32 $0x0  }
0x46: {  	[tilespmem:s26], [sflag:$0x1] =	stream.indirect_vreg.gather [hbm4b:s7+s3], $0x80, v3, vm0, $0xb8;
	[tilespmem:$0x10280] =	vst v63  }
.LBB2_5:
0x47: {  	v3 =	vld [tilespmem:s31+$0xFFFFFFF0];
	_ =	sdelay $0x4  }
0x48: {  	v4 =	vshll.u32 v3, $0x3  }
0x49: {  	v3 =	vand.u32 $0x7, v3;
	v4 =	vand.u32 $0xFFFFFFC0, v4  }
0x4a: {  	v3 =	vor.u32 v3, v4  }
0x4b: {  	v4 =	vperm.xlane v3, v0;
	_ =	sdelay $0x1  }
0x4c: {  	v4 =	vadd.s32 v1, v4;
	_ =	sdelay $0x2  }
0x4d: {  	s12 =	sshll.u32 s11, $0xF  }
0x4e: {  	s13 =	sxor.u32 $0x8280, s12  }
0x4f: {  	[tilespmem:s13], [sflag:$0x1] =	stream.indirect_vreg.gather [hbm4b:s2+s3], $0x80, v4, vm0, $0xb8;
	[tilespmem:$0x10280] =	vst v63  }
0x50: {  	v3 =	vperm.xlane v3, v2;
	s13 =	sxor.u32 $0x8A80, s12  }
0x51: {  	[tilespmem:s13], [sflag:$0x1] =	stream.indirect_vreg.gather [hbm4b:s5+s3], $0x80, v4, vm0, $0xb8;
	[tilespmem:$0x10280] =	vst v63  }
0x52: {  	v3 =	vadd.s32 v1, v3;
	s13 =	sxor.u32 $0x9280, s12  }
0x53: {  	[tilespmem:s13], [sflag:$0x1] =	stream.indirect_vreg.gather [hbm4b:s6+s3], $0x80, v4, vm0, $0xb8;
	[tilespmem:$0x10280] =	vst v63  }
0x54: {  	s13 =	sxor.u32 $0x9A80, s12  }
0x55: {  	[tilespmem:s13], [sflag:$0x1] =	stream.indirect_vreg.gather [hbm4b:s7+s3], $0x80, v4, vm0, $0xb8;
	[tilespmem:$0x10280] =	vst v63  }
0x56: {  	s13 =	sxor.u32 $0xA280, s12  }
0x57: {  	[tilespmem:s13], [sflag:$0x1] =	stream.indirect_vreg.gather [hbm4b:s2+s3], $0x80, v3, vm0, $0xb8;
	[tilespmem:$0x10280] =	vst v63  }
0x58: {  	s13 =	sxor.u32 $0xAA80, s12  }
0x59: {  	[tilespmem:s13], [sflag:$0x1] =	stream.indirect_vreg.gather [hbm4b:s5+s3], $0x80, v3, vm0, $0xb8;
	[tilespmem:$0x10280] =	vst v63  }
0x5a: {  	s13 =	sxor.u32 $0xB280, s12  }
0x5b: {  	[tilespmem:s13], [sflag:$0x1] =	stream.indirect_vreg.gather [hbm4b:s6+s3], $0x80, v3, vm0, $0xb8;
	[tilespmem:$0x10280] =	vst v63  }
0x5c: {  	s13 =	sxor.u32 $0xBA80, s12  }
0x5d: {  	[tilespmem:s13], [sflag:$0x1] =	stream.indirect_vreg.gather [hbm4b:s7+s3], $0x80, v3, vm0, $0xb8;
	[tilespmem:$0x10280] =	vst v63  }
0x5e: {  	v3 =	vld [tilespmem:s31+$0x0];
	_ =	sdelay $0x4  }
0x5f: {  	v63 =	vshll.u32 v3, $0x3  }
0x60: {  	v3 =	vand.u32 $0x7, v3;
	v4 =	vand.u32 $0xFFFFFFC0, v63  }
0x61: {  	v3 =	vor.u32 v3, v4  }
0x62: {  	v4 =	vperm.xlane v3, v0;
	_ =	sdelay $0x1  }
0x63: {  	v4 =	vadd.s32 v1, v4;
	_ =	sdelay $0x3  }
0x64: {  	s13 =	sxor.u32 $0xC280, s12  }
0x65: {  	[tilespmem:s13], [sflag:$0x1] =	stream.indirect_vreg.gather [hbm4b:s2+s3], $0x80, v4, vm0, $0xb8;
	[tilespmem:$0x10280] =	vst v63  }
0x66: {  	v3 =	vperm.xlane v3, v2;
	s13 =	sxor.u32 $0xCA80, s12  }
0x67: {  	[tilespmem:s13], [sflag:$0x1] =	stream.indirect_vreg.gather [hbm4b:s5+s3], $0x80, v4, vm0, $0xb8;
	[tilespmem:$0x10280] =	vst v63  }
0x68: {  	v3 =	vadd.s32 v1, v3;
	s13 =	sxor.u32 $0xD280, s12  }
0x69: {  	[tilespmem:s13], [sflag:$0x1] =	stream.indirect_vreg.gather [hbm4b:s6+s3], $0x80, v4, vm0, $0xb8;
	[tilespmem:$0x10280] =	vst v63  }
0x6a: {  	s13 =	sxor.u32 $0xDA80, s12  }
0x6b: {  	[tilespmem:s13], [sflag:$0x1] =	stream.indirect_vreg.gather [hbm4b:s7+s3], $0x80, v4, vm0, $0xb8;
	[tilespmem:$0x10280] =	vst v63  }
0x6c: {  	s13 =	sxor.u32 $0xE280, s12  }
0x6d: {  	[tilespmem:s13], [sflag:$0x1] =	stream.indirect_vreg.gather [hbm4b:s2+s3], $0x80, v3, vm0, $0xb8;
	[tilespmem:$0x10280] =	vst v63  }
0x6e: {  	s13 =	sxor.u32 $0xEA80, s12  }
0x6f: {  	[tilespmem:s13], [sflag:$0x1] =	stream.indirect_vreg.gather [hbm4b:s5+s3], $0x80, v3, vm0, $0xb8;
	[tilespmem:$0x10280] =	vst v63  }
0x70: {  	s13 =	sxor.u32 $0xF280, s12  }
0x71: {  	[tilespmem:s13], [sflag:$0x1] =	stream.indirect_vreg.gather [hbm4b:s6+s3], $0x80, v3, vm0, $0xb8;
	[tilespmem:$0x10280] =	vst v63  }
0x72: {  	s12 =	sxor.u32 $0xFA80, s12  }
0x73: {  	[tilespmem:s12], [sflag:$0x1] =	stream.indirect_vreg.gather [hbm4b:s7+s3], $0x80, v3, vm0, $0xb8;
	[tilespmem:$0x10280] =	vst v63  }
.LBB2_6:
0x74: {  	s0 =	sadd.s32 $0x1, s0  }
0x75: {  	p0 =	sne.s32 s0, $0x14  }
.Ltmp3:
0x76: {  	_ =	swait.ge [sflag:s28], $0x8000;
	(pc) =	sbr.rel @!p0 .LBB2_7-.Ltmp3, $4  }
0x77: {  	s11 =	sshll.u32 s11, $0xF;
	[sflag:s28] =	ssyncset.done $0x0  }
0x78: {  	s11 =	sor.u32 $0x280, s11;
	[sflag:s28] =	ssyncadd.s32 $0xFFFF8000  }
0x79: {  	[hbm4b:s9+s3] =	stream.linear.scatter [tilespmem:s11], [sflag:$0x2], $0x8000, $0x38;
	[tilespmem:$0x10280] =	vst v63  }
0x7a: {  	s31 =	sadd.s32 $0x20, s31;
	s9 =	sadd.s32 $0x1000, s9  }
.LBB2_2:
0x7b: {  	p0 =	seq.s32 s0, $0x0  }
.Ltmp4:
0x7c: {  	_ = 	snop;
	(pc) =	sbr.rel @p0 .LBB2_5-.Ltmp4, $2  }
0x7d: {  	_ =	sdelay $0x2  }
0x7e: {  	s11 =	sand.u32 $0x1, s0  }
0x7f: {  	p0 =	seq.s32 s0, $0x13  }
.Ltmp5:
0x80: {  	_ = 	snop;
	(pc) =	sbr.rel @p0 .LBB2_6-.Ltmp5, $1  }
0x81: {  	_ =	sdelay $0x3  }
.Ltmp6:
0x82: {  	(pc) =	sbr.rel .LBB2_5-.Ltmp6, $4  }
0x83: {  	_ = 	snop  }
0x84: {  	_ =	swait.ge [sflag:s29], $0x8000  }
0x85: {  	[sflag:s29] =	ssyncset.done $0x0  }
0x86: {  	[sflag:s29] =	ssyncadd.s32 $0xFFFF8000  }
.LBB2_8:
0x87: {  	_ =	sfence.sel $0x180000  }
0x88: {  	[bflag:$0x0] =	sbarrier.arrive $0xFFFF  }
0x89: {  	_ =	strace $0x90000047  }
0x8a: {  	s0 =	stileid.u32;
	[bflag:$0x2] =	sbarrier.arrive $0xFFFF  }
0x8b: {  	p0 =	sne.s32 s0, $0x0;
	s0 =	rddreg [dreg:$0x2]  }
0x8c: {  	s0 =	sadd.s32 @!p0 $0x100000, s0  }
0x8d: {  	[sflag:s0] =	ssyncadd.tile.s32 @!p0 $0x1;
	_ =	shalt  }
.Lfunc_end2:
_tile_overlayer_lowered:
.L_overlay_start_2:
0x8e: {  	(tag) =	ssettag $0x2  }
0x8f: {  	s0 =	rddreg [dreg:$0x0];
	s2 =	stileid.u32  }
0x90: {  	s1 =	rddreg [dreg:$0x1];
	p0 =	sne.s32 s2, $0x0  }
0x91: {  	s3 =	rddreg [dreg:$0x2];
	[bflag:$0x3] =	sbarrier.arrive $0xFFFF;
	s2 =	simm.s32 @!p0 $0x1C03  }
0x92: {  	[timem:s3], [sflag:s2] =	dma.local @!p0 [hbm:s0], s1  }
0x93: {  	s0 =	simm.s32 @!p0 $0x3  }
0x94: {  	_ =	swait.ge @!p0 [sflag:s0], s1  }
0x95: {  	s1 =	ssub.s32 @!p0 $0x0, s1;
	[sflag:s0] =	ssyncset.done @!p0 $0x0  }
0x96: {  	[sflag:s0] =	ssyncadd.s32 @!p0 s1  }
0x97: {  	[bflag:$0x3] =	sbarrier.arrive $0xFFFF  }
0x98: {  	_ =	shalt  }

// kernel: sparse-core-data-format-call.cloned.1.call-start
scs
called_computation_lowered:
.L_overlay_start_0:
0x0: {  	s2 =	sld [smem:$0x3FD9]  }
0x1: {  	s3 =	sld [smem:$0x3FFE];
	_ =	sdelay $0x1  }
0x2: {  	s1 =	srdreg.scid  }
0x3: {  	s0 =	sand.u32 $0x1, s1  }
0x4: {  	s18 =	sshll.u32 s0, $0xA;
	s2 =	sadd.s32 s3, s2  }
0x5: {  	s2 =	sadd.s32 s2, s18  }
0x6: {  	[smem:$0x3FC6] =	sst s2  }
0x7: {  	_ = 	snop  }
0x8: {  	s2 =	sld [smem:$0x3FD0];
	(tm) =	ssettm $0x1  }
0x9: {  	s19 =	sld [smem:$0x3FFB];
	_ =	sdelay $0x3  }
0xa: {  	_ =	strace s19  }
0xb: {  	s3 =	sld [smem:$0x3FFC];
	_ =	sdelay $0x3  }
0xc: {  	_ =	strace s3  }
0xd: {  	s3 =	sld [smem:$0x3FFD];
	_ =	sdelay $0x3  }
0xe: {  	_ =	strace s3  }
0xf: {  	_ =	strace $0x8FFFFFFF  }
0x10: {  	s20 =	sld [smem:$0x3FDB];
	_ =	sdelay $0x1  }
0x11: {  	s4 =	simm.s32 $_scs_section_size  }
0x12: {  	s5 =	simm.s32 $_size__tile_overlayer_lowered;
	s6 =	simm.s32 $_tile_overlayer_lowered  }
0x13: {  	s23 =	simm.s32 $0x1BFF;
	s22 =	sshll.u32 s6, $0x1;
	s3 =	sadd.s32 s4, s20  }
0x14: {  	s7 =	simm.s32 $0x0;
	s21 =	sshll.u32 s5, $0x1;
	s5 =	sadd.s32 s22, s3  }
0x15: {  	[timem:s7], [sflag:s23] =	dma.local [hbm:s5], s21  }
0x16: {  	_ =	swait.ge [sflag:s23], s21  }
0x17: {  	s4 =	ssub.s32 $0x0, s21;
	[sflag:s23] =	ssyncset.done $0x0  }
0x18: {  	[sflag:s23] =	ssyncadd.s32 s4;
	_ =	sdelay $0x1  }
0x19: {  	s24 =	simm.s32 $0x1B8B  }
0x1a: {  	_ =	swait.ge [sflag:s24], $0x1  }
0x1b: {  	[sflag:s24] =	ssyncset.done $0x0  }
0x1c: {  	s26 =	simm.s32 $0x1B8E;
	s25 =	sld [smem:$0x3FFE];
	[sflag:s24] =	ssyncadd.s32 $0xFFFFFFFF  }
0x1d: {  	s27 =	simm.s32 $execute0_lowered;
	[smem:$0x3FD2] =	sst s26  }
0x1e: {  	s5 =	sshll.u32 s27, $0x1;
	_ =	strace $0x80000049;
	[dreg:$0x1] =	wrdreg $0xFFFFFFFF  }
0x1f: {  	s28 =	simm.s32 $_size_execute0_lowered;
	s3 =	sadd.s32 s3, s5;
	[dreg:$0x0] =	wrdreg $0x0  }
0x20: {  	s5 =	sshll.u32 s28, $0x1;
	[dreg:$0x2] =	wrdreg s3  }
0x21: {  	[dreg:$0x3] =	wrdreg s5  }
0x22: {  	[dreg:$0x4] =	wrdreg $0xC0  }
0x23: {  	_ =	task [dreg:s7], $0x5FFFF  }
0x24: {  	[dreg:$0x1] =	wrdreg $0xFFFFFFFF  }
0x25: {  	[dreg:$0x0] =	wrdreg $0x60  }
0x26: {  	[dreg:$0x2] =	wrdreg s25  }
0x27: {  	[dreg:$0x3] =	wrdreg s2  }
0x28: {  	[dreg:$0x4] =	wrdreg $0x9  }
0x29: {  	_ =	task.clear_ibuf [dreg:s7], $0x5FFFF;
	_ =	strace $0x90000049  }
0x2a: {  	s29 =	simm.s32 $0x9;
	_ =	strace $0x8000004B  }
0x2b: {  	_ =	swait.ge [sflag:s29], $0x1  }
0x2c: {  	[sflag:s29] =	ssyncadd.s32 $0xFFFFFFFF  }
0x2d: {  	_ =	strace $0x9000004B  }
0x2e: {  	_ =	sfence  }
0x2f: {  	s30 =	sld [smem:$0x0];
	_ =	sdelay $0x2  }
0x30: {  	s31 =	sshll.u32 s1, $0xD;
	s1 =	sshrl.u32 s1, $0x2  }
0x31: {  	s3 =	sand.u32 $0x4000, s31;
	s1 =	sadd.s32 s1, s30  }
0x32: {  	s0 =	sor.u32 s3, s0;
	s1 =	sshll.u32 s1, $0x11  }
0x33: {  	s0 =	sor.u32 s1, s0  }
0x34: {  	s0 =	sadd.s32 $0x8F2B, s0  }
0x35: {  	[sflag:s0] =	ssyncadd.remote.s32 $0x1  }
0x36: {  	_ =	sfence.sel $0xFFFF  }
0x37: {  	[dreg:$0x0] =	wrdreg $0xFFFFFFFF;
	(pc) =	sbr.abs _section_cstart, $3  }
0x38: {  	[dreg:$0x1] =	wrdreg $0xFFFFFFFF  }
0x39: {  	_ =	task.clear_ibuf [dreg:s7], $0x2FFFF;
	_ =	strace $0x9FFFFFFF  }
0x3a: {  	(tm) =	ssettm $0x7FFFFFFF  }
0x3b: {  	_ =	shalt  }
tec
execute0_lowered:
.L_overlay_start_1:
0x0: {  	(tag) =	ssettag $0x1  }
0x1: {  	s4 =	rddreg [dreg:$0x0]  }
0x2: {  	s0 =	stileid.u32;
	s2 =	rddreg [dreg:$0x1]  }
0x3: {  	s7 =	srdreg.scid;
	s31 =	simm.s32 $0x2;
	s17 =	simm.s32 $0x0  }
0x4: {  	s9 =	simm.s32 $0x2000;
	s19 =	simm.s32 $0x0;
	s18 =	simm.s32 $0x0  }
0x5: {  	s10 =	simm.s32 $0x0;
	s11 =	simm.s32 $0x0;
	s1 =	sshll.u32 s0, $0x7  }
0x6: {  	s12 =	simm.s32 $0x0;
	s14 =	simm.s32 $0x0;
	s3 =	sand.u32 $0x380, s1  }
0x7: {  	s16 =	simm.s32 $0x0;
	s4 =	sadd.s32 $0x501600, s4;
	s5 =	ssub.s32 $0x400, s3  }
0x8: {  	s8 =	sshll.u32 s0, $0x4;
	s7 =	sshll.u32 s7, $0x8;
	s6 =	sand.u32 $0x380, s5  }
0x9: {  	s1 =	rddreg [dreg:$0x2];
	p0 =	sne.s32 s6, $0x0;
	s6 =	simm.s32 $0x1  }
.Ltmp0:
0xa: {  	s5 =	sshrl.u32 s5, $0xA;
	s6 =	simm.s32 @!p0 $0x0;
	(pc) =	sbr.rel .LBB1_1-.Ltmp0, $4  }
0xb: {  	_ =	strace $0x8000004A;
	s7 =	sor.u32 s8, s7;
	s6 =	sadd.s32 s6, s5  }
0xc: {  	s7 =	sand.u32 $0x180, s7;
	s5 =	simm.s32 $0x1;
	s6 =	smul.u32 $0x28, s6  }
0xd: {  	s15 =	smov.u32 s3;
	s13 =	smov.u32 s7;
	[sflag:s5] =	ssyncpa.u1 $0x0  }
0xe: {  	p0 =	por $0x0, $0x0;
	[sflag:s31] =	ssyncpa.u1 $0x0;
	s8 =	sor.u32 $0x1, s6  }
.LBB1_4:
0xf: {  	s25 =	sshll.u32 s10, $0xA;
	s24 =	sshra.s32 s24, $0x2;
	s26 =	sshll.u32 s12, $0x3  }
0x10: {  	p1 =	sgt.s32 s11, $0x13;
	s27 =	smov.u32 s11;
	s28 =	sshra.s32 s11, $0x1F  }
0x11: {  	p2 =	sgt.s32 s12, $0x380;
	s31 =	sshra.s32 s12, $0x1F;
	s25 =	sand.u32 $0xFFFFE000, s25  }
0x12: {  	s26 =	sand.u32 $0xFFFFFC00, s26;
	s27 =	simm.s32 @!p1 $0x13;
	s28 =	sand.u32 s28, s11  }
0x13: {  	[tilespmem:s22+$0x2040 ss:$0x81] =	vst.msk $0xffff, v4;
	s23 =	sadd.s32 s24, s23;
	s29 =	sadd.s32 s26, s25;
	s25 =	ssub.s32 s27, s28  }
0x14: {  	[tilespmem:s22+$0x2850 ss:$0x81] =	vst.msk $0xffff, v3;
	s27 =	smov.u32 s12;
	s28 =	smov.u32 s10;
	s26 =	sand.u32 s31, s12  }
0x15: {  	[tilespmem:s22+$0x3060 ss:$0x81] =	vst.msk $0xffff, v2;
	s24 =	sshrl.u32 s29, $0xA;
	s30 =	sadd.s32 $0xFFFFFFED, s25;
	s27 =	simm.s32 @!p2 $0x380  }
0x16: {  	v5 =	vld [tilespmem:s21+$0xFFFFFFD0];
	[tilespmem:s22+$0x0 ss:$0x81] =	vst.msk $0xffff, v1;
	p2 =	sgt.s32 s10, $0x368;
	s29 =	sshra.s32 s10, $0x1F;
	s22 =	ssub.s32 $0x14, s25  }
0x17: {  	v58 =	vld [tilespmem:s21+$0xFFFFFFE0];
	p1 =	sgt.s32 s30, $0x0;
	s28 =	simm.s32 @!p2 $0x368;
	s29 =	sand.u32 s29, s10  }
0x18: {  	v59 =	vld [tilespmem:s21+$0xFFFFFFF0];
	s26 =	ssub.s32 s27, s26;
	s27 =	smulhi.u32 $0x418938, s24;
	s28 =	ssub.s32 s28, s29  }
0x19: {  	v60 =	vld [tilespmem:s21+$0x0];
	s30 =	sadd.s32 $0xFFFFFC80, s26;
	s25 =	ssub.s32 $0x400, s26;
	s22 =	simm.s32 @p1 $0x0  }
0x1a: {  	v61 =	vld [tilespmem:s21+$0x10];
	[tilespmem:s23+$0x3870 ss:$0x81] =	vst.msk $0xffff, v0;
	s29 =	sand.u32 $0x78, s12;
	p2 =	sgt.s32 s30, $0x7F;
	s31 =	sadd.s32 $0xFFFFFC98, s28  }
0x1b: {  	v62 =	vld [tilespmem:s21+$0x20];
	[tilespmem:s23+$0x810 ss:$0x81] =	vst.msk $0xffff, v5;
	s27 =	smul.u32 $0x3E8, s27;
	s30 =	sshll.u32 s10, $0x7;
	s28 =	ssub.s32 $0x3E8, s28  }
0x1c: {  	v63 =	vld [tilespmem:s21+$0xFFFFFFC0];
	[tilespmem:s23+$0x1020 ss:$0x81] =	vst.msk $0xffff, v58;
	s25 =	simm.s32 @p2 $0x0;
	p1 =	sgt.s32 s31, $0x7F;
	s31 =	smul.u32 $0x1F400, s11  }
0x1d: {  	[tilespmem:s23+$0x1830 ss:$0x81] =	vst.msk $0xffff, v59;
	s21 =	sand.u32 $0x380, s30;
	s22 =	smul.u32 s25, s22;
	s28 =	simm.s32 @p1 $0x0  }
0x1e: {  	[tilespmem:s23+$0x2040 ss:$0x81] =	vst.msk $0xffff, v60;
	s21 =	sor.u32 s29, s21;
	s24 =	ssub.s32 s24, s27;
	s29 =	sand.u32 $0x7, s12  }
0x1f: {  	[tilespmem:s23+$0x2850 ss:$0x81] =	vst.msk $0xffff, v61;
	s21 =	sshrl.u32 s21, $0x3;
	s25 =	sadd.s32 s2, s31;
	s22 =	smul.u32 s28, s22  }
0x20: {  	[tilespmem:s23+$0x3060 ss:$0x81] =	vst.msk $0xffff, v62;
	s24 =	sshll.u32 s24, $0x7;
	s30 =	sshll.u32 s29, $0x12;
	s21 =	sadd.s32 s21, s25  }
0x21: {  	[tilespmem:s23+$0x0 ss:$0x81] =	vst.msk $0xffff, v63;
	s31 =	sor.u32 $0x400, s30;
	s21 =	sadd.s32 s24, s21;
	s22 =	sand.u32 $0x3FFFFFFF, s22  }
0x22: {  	[hbm4b:s21+s31] =	stream.strided.scatter [tilespmem:s20], [sflag:$0x2], s22, s9, s31, $0x20;
	[tilespmem:$0x10100] =	vst v63  }
.LBB1_5:
0x23: {  	p1 =	slt.u32 s16, $0x2  }
0x24: {  	p2 =	sgt.s32 @!p1 s19, $0x13  }
0x25: {  	s20 =	smov.u32 s19;
	s21 =	sshra.s32 @!p1 s19, $0x1F;
	p2 =	por !p2, p1  }
0x26: {  	s19 =	sand.u32 @!p1 s21, s19;
	s20 =	simm.s32 @p2 $0x13  }
0x27: {  	p3 =	sgt.s32 @!p1 s17, $0x368;
	s19 =	ssub.s32 @!p1 s20, s19  }
0x28: {  	p4 =	sgt.s32 @!p1 s18, $0x380;
	s22 =	sshra.s32 @!p1 s18, $0x1F;
	s20 =	sadd.s32 @!p1 $0xFFFFFFED, s19  }
0x29: {  	s21 =	smov.u32 s17;
	p2 =	sgt.s32 @!p1 s20, $0x0;
	s20 =	sshra.s32 @!p1 s17, $0x1F  }
0x2a: {  	p4 =	por !p4, p1;
	s17 =	sand.u32 @!p1 s20, s17;
	s20 =	smov.u32 s18  }
0x2b: {  	p3 =	por !p3, p1;
	s18 =	sand.u32 @!p1 s22, s18;
	s20 =	simm.s32 @p4 $0x380  }
0x2c: {  	s21 =	simm.s32 @p3 $0x368;
	s19 =	ssub.s32 @!p1 $0x14, s19;
	s18 =	ssub.s32 @!p1 s20, s18  }
0x2d: {  	p2 =	por !p2, p1;
	s17 =	ssub.s32 @!p1 s21, s17;
	s21 =	sadd.s32 @!p1 $0xFFFFFC80, s18  }
0x2e: {  	s19 =	simm.s32 @!p2 $0x0;
	p3 =	sgt.s32 @!p1 s21, $0x7F  }
0x2f: {  	s20 =	sadd.s32 @!p1 $0xFFFFFC98, s17;
	s18 =	ssub.s32 @!p1 $0x400, s18;
	p3 =	por !p3, p1  }
0x30: {  	p2 =	sgt.s32 @!p1 s20, $0x7F;
	s20 =	sadd.s32 $0x200, s13;
	s18 =	simm.s32 @!p3 $0x0  }
0x31: {  	p3 =	sgt.s32 s20, $0x3E7;
	s18 =	smul.u32 @!p1 s18, s19;
	s19 =	simm.s32 $0x1  }
0x32: {  	s17 =	ssub.s32 @!p1 $0x3E8, s17;
	p2 =	por !p2, p1;
	s19 =	simm.s32 @!p3 $0x0  }
0x33: {  	s22 =	smov.u32 s15;
	s17 =	simm.s32 @!p2 $0x0;
	s21 =	sadd.s32 s19, s14  }
0x34: {  	s17 =	smul.u32 @!p1 s17, s18;
	s18 =	sadd.s32 $0x400, s15;
	p2 =	sgt.s32 s21, $0x13  }
0x35: {  	p0 =	por !p0, !p0;
	s23 =	simm.s32 @!p1 $0x2;
	s22 =	smov.u32 @p2 s18  }
0x36: {  	s20 =	smov.u32 @p3 s7;
	s21 =	simm.s32 @p2 $0x0;
	p2 =	sgt.s32 s22, $0x3FF  }
0x37: {  	s19 =	smov.u32 s11;
	s22 =	smov.u32 @p2 s3;
	p2 =	sne.s32 s16, s8  }
.Ltmp1:
0x38: {  	s11 =	smov.u32 s14;
	s17 =	sand.u32 @!p1 $0x3FFFFFFF, s17;
	(pc) =	sbr.rel @!p2 .LBB1_6-.Ltmp1, $4  }
0x39: {  	s18 =	smov.u32 s12;
	s12 =	smov.u32 s15;
	_ =	swait.ge @!p1 [sflag:s23], s17  }
0x3a: {  	s24 =	ssub.s32 @!p1 $0x0, s17;
	s17 =	smov.u32 s10;
	s10 =	smov.u32 s13  }
0x3b: {  	s13 =	smov.u32 s20;
	s14 =	smov.u32 s21;
	[sflag:s23] =	ssyncset.done @!p1 $0x0  }
0x3c: {  	s16 =	sadd.s32 $0x1, s16;
	[sflag:s23] =	ssyncadd.s32 @!p1 s24;
	s15 =	smov.u32 s22  }
.LBB1_1:
0x3d: {  	p1 =	sge.u32 s16, s6  }
0x3e: {  	s20 =	sshll.u32 @!p1 s14, $0xA  }
0x3f: {  	s21 =	sshll.u32 @!p1 s13, $0x3;
	s20 =	sand.u32 @!p1 $0xFFFFE000, s20  }
0x40: {  	s20 =	sadd.s32 @!p1 s20, s21  }
0x41: {  	s20 =	sshrl.u32 @!p1 s20, $0xA  }
0x42: {  	s21 =	smulhi.u32 @!p1 $0xAAAAAAB, s20  }
0x43: {  	s22 =	sshll.u32 @!p1 s14, $0x7;
	s24 =	smul.u32 @!p1 $0xC00, s15  }
0x44: {  	s23 =	sand.u32 @!p1 $0x78, s13;
	s22 =	sand.u32 @!p1 $0x380, s22;
	s21 =	smul.u32 @!p1 $0x18, s21  }
0x45: {  	s31 =	sadd.s32 $0xFFFFFFFF, s16;
	s22 =	sor.u32 @!p1 s23, s22;
	s23 =	sadd.s32 @!p1 s4, s24  }
0x46: {  	s22 =	sshrl.u32 @!p1 s22, $0x3;
	s20 =	ssub.s32 @!p1 s20, s21;
	s21 =	sxor.u32 @!p1 $0xFFFFFFFF, s16  }
0x47: {  	s22 =	sadd.s32 @!p1 s22, s23;
	s23 =	sand.u32 @!p1 $0x7, s13;
	s21 =	sshll.u32 @!p1 s21, $0xE  }
0x48: {  	s23 =	sshll.u32 @!p1 s23, $0x12;
	s20 =	sshll.u32 @!p1 s20, $0x7;
	s21 =	sand.u32 @!p1 $0x4000, s21  }
0x49: {  	s20 =	sadd.s32 @!p1 s20, s22;
	s22 =	sor.u32 @!p1 $0x80, s23;
	s23 =	simm.s32 @!p1 $0x6000  }
0x4a: {  	[tilespmem:s21], [sflag:$0x1] =	stream.strided.gather @!p1 [hbm4b:s20+s22], $0x4000, s23, s22, $0x38;
	[tilespmem:$0x10100] =	vst v63  }
0x4b: {  	p1 =	sge.u32 s31, s6  }
.Ltmp2:
0x4c: {  	_ = 	snop;
	(pc) =	sbr.rel @p1 .LBB1_5-.Ltmp2, $1  }
0x4d: {  	_ =	sdelay $0x3  }
0x4e: {  	s20 =	simm.s32 $0x1  }
0x4f: {  	_ =	swait.ge [sflag:s5], $0x4000;
	s20 =	simm.s32 @!p0 $0x0  }
0x50: {  	[sflag:s5] =	ssyncset.done $0x0;
	s21 =	sshll.u32 s20, $0xE  }
0x51: {  	[sflag:s5] =	ssyncadd.s32 $0xFFFFC000;
	s21 =	sor.u32 $0x40, s21  }
0x52: {  	s20 =	smul.u32 $0x10200, s20;
	v0 =	vld [tilespmem:s21+$0x30]  }
0x53: {  	v1 =	vld [tilespmem:s21+$0xFFFFFFD0]  }
0x54: {  	s20 =	sshrl.u32 s20, $0x2;
	v5 =	vld [tilespmem:s21+$0xFFFFFFE0]  }
0x55: {  	v6 =	vld [tilespmem:s21+$0xFFFFFFF0];
	s23 =	sor.u32 $0x8000, s20  }
0x56: {  	s31 =	sand.u32 $0x1, s16;
	v4 =	vld [tilespmem:s21+$0x0];
	s22 =	sadd.s32 $0x0, s23  }
0x57: {  	v3 =	vld [tilespmem:s21+$0x10];
	s20 =	smul.u32 $0x10200, s31;
	[tilespmem:s22+$0x3870 ss:$0x81] =	vst.msk $0xffff, v0  }
0x58: {  	v2 =	vld [tilespmem:s21+$0x20];
	[tilespmem:s22+$0x810 ss:$0x81] =	vst.msk $0xffff, v1  }
0x59: {  	s20 =	sshrl.u32 s20, $0x2;
	v1 =	vld [tilespmem:s21+$0xFFFFFFC0];
	[tilespmem:s22+$0x1020 ss:$0x81] =	vst.msk $0xffff, v5;
	s21 =	sadd.s32 $0x80, s21  }
0x5a: {  	s24 =	simm.s32 $0x4;
	s25 =	simm.s32 $0x8;
	s20 =	sor.u32 $0x8000, s20;
	[tilespmem:s22+$0x1830 ss:$0x81] =	vst.msk $0xffff, v6;
	v0 =	vld [tilespmem:s21+$0x30]  }
.LBB1_3:
0x5b: {  	p1 =	sne.s32 s25, $0x1FC;
	v5 =	vld [tilespmem:s21+$0xFFFFFFD0];
	[tilespmem:s22+$0x2040 ss:$0x81] =	vst.msk $0xffff, v4  }
0x5c: {  	v6 =	vld [tilespmem:s21+$0xFFFFFFE0];
	[tilespmem:s22+$0x2850 ss:$0x81] =	vst.msk $0xffff, v3  }
0x5d: {  	s26 =	sshra.s32 s24, $0x2;
	s24 =	smov.u32 s25;
	v7 =	vld [tilespmem:s21+$0xFFFFFFF0];
	[tilespmem:s22+$0x3060 ss:$0x81] =	vst.msk $0xffff, v2  }
.Ltmp3:
0x5e: {  	v4 =	vld [tilespmem:s21+$0x0];
	[tilespmem:s22+$0x0 ss:$0x81] =	vst.msk $0xffff, v1;
	s22 =	sadd.s32 s26, s23;
	(pc) =	sbr.rel @p1 .LBB1_3-.Ltmp3, $4  }
0x5f: {  	v3 =	vld [tilespmem:s21+$0x10];
	[tilespmem:s22+$0x3870 ss:$0x81] =	vst.msk $0xffff, v0  }
0x60: {  	[tilespmem:s22+$0x810 ss:$0x81] =	vst.msk $0xffff, v5;
	v2 =	vld [tilespmem:s21+$0x20]  }
0x61: {  	v1 =	vld [tilespmem:s21+$0xFFFFFFC0];
	[tilespmem:s22+$0x1020 ss:$0x81] =	vst.msk $0xffff, v6;
	s21 =	sadd.s32 $0x80, s21  }
0x62: {  	s25 =	sadd.s32 $0x4, s25;
	v0 =	vld [tilespmem:s21+$0x30];
	[tilespmem:s22+$0x1830 ss:$0x81] =	vst.msk $0xffff, v7  }
.Ltmp4:
0x63: {  	_ = 	snop;
	(pc) =	sbr.rel .LBB1_4-.Ltmp4, $1  }
0x64: {  	_ =	sdelay $0x3  }
.LBB1_6:
0x65: {  	_ =	sfence.sel $0x180000  }
0x66: {  	s2 =	simm.s32 $0x1;
	[bflag:$0x0] =	sbarrier.arrive $0xFFFF  }
0x67: {  	s31 =	simm.s32 $0x2;
	[sflag:s2] =	ssyncpa.u1 $0x1  }
0x68: {  	[sflag:s31] =	ssyncpa.u1 $0x1  }
0x69: {  	p0 =	sne.s32 s0, $0x0;
	_ =	strace $0x9000004A  }
0x6a: {  	s0 =	sadd.s32 @!p0 $0x100000, s1;
	[bflag:$0x2] =	sbarrier.arrive $0xFFFF  }
0x6b: {  	[sflag:s0] =	ssyncadd.tile.s32 @!p0 $0x1;
	_ =	shalt  }
.Lfunc_end1:
_tile_overlayer_lowered:
.L_overlay_start_2:
0x6c: {  	(tag) =	ssettag $0x2  }
0x6d: {  	s0 =	rddreg [dreg:$0x0];
	s2 =	stileid.u32  }
0x6e: {  	s1 =	rddreg [dreg:$0x1];
	p0 =	sne.s32 s2, $0x0  }
0x6f: {  	s3 =	rddreg [dreg:$0x2];
	[bflag:$0x3] =	sbarrier.arrive $0xFFFF;
	s2 =	simm.s32 @!p0 $0x1C01  }
0x70: {  	[timem:s3], [sflag:s2] =	dma.local @!p0 [hbm:s0], s1  }
0x71: {  	s0 =	simm.s32 @!p0 $0x1  }
0x72: {  	_ =	swait.ge @!p0 [sflag:s0], s1  }
0x73: {  	s1 =	ssub.s32 @!p0 $0x0, s1;
	[sflag:s0] =	ssyncset.done @!p0 $0x0  }
0x74: {  	[sflag:s0] =	ssyncadd.s32 @!p0 s1  }
0x75: {  	[bflag:$0x3] =	sbarrier.arrive $0xFFFF  }
0x76: {  	_ =	shalt  }

</sc_bundles>
